<compile_context>
chip_gen: v7x
topology: tpu7x:2x2x1
jax: 0.10.2.dev20260603
libtpu: 0.0.44.dev20260713+nightly
codegen_flags: <defaults>
</compile_context>

<pallas_src>
import functools

import jax
import jax.numpy as jnp
from jax import lax
from jax.experimental import pallas as pl
from jax.experimental.pallas import tpu as pltpu
from jax.experimental.pallas import tpu_sc as plsc

MAX_SIZE = 100000
STATE_DIM = 128
BATCH = 16384

_NC = 2
_NS = 16
_NW = _NC * _NS
_BPW = BATCH // _NW


@functools.partial(
    pl.kernel,
    mesh=plsc.VectorSubcoreMesh(core_axis_name="c", subcore_axis_name="s"),
    out_type=(
        jax.ShapeDtypeStruct((BATCH, STATE_DIM), jnp.float32),
        jax.ShapeDtypeStruct((BATCH,), jnp.int32),
        jax.ShapeDtypeStruct((BATCH,), jnp.float32),
        jax.ShapeDtypeStruct((BATCH, STATE_DIM), jnp.float32),
        jax.ShapeDtypeStruct((BATCH,), jnp.int32),
    ),
    scratch_types=[
        pltpu.VMEM((_BPW,), jnp.int32),
        pltpu.VMEM((_BPW, STATE_DIM), jnp.float32),
        pltpu.VMEM((_BPW,), jnp.int32),
        pltpu.VMEM((_BPW,), jnp.float32),
        pltpu.VMEM((_BPW,), jnp.int32),
        pltpu.SemaphoreType.DMA,
        pltpu.SemaphoreType.DMA,
        pltpu.SemaphoreType.DMA,
    ],
)
def _sample(s_hbm, a_hbm, r_hbm, sn_hbm, dw_hbm, ind_hbm,
            out_s, out_a, out_r, out_sn, out_dw,
            idx_v, rows_v, a_v, r_v, dw_v, sem_g, sem_n, sem_w):
    wid = lax.axis_index("s") * _NC + lax.axis_index("c")
    base = wid * _BPW
    pltpu.sync_copy(ind_hbm.at[pl.ds(base, _BPW)], idx_v)

    ca = pltpu.async_copy(a_hbm.at[idx_v], a_v, sem_n)
    cr = pltpu.async_copy(r_hbm.at[idx_v], r_v, sem_n)
    cd = pltpu.async_copy(dw_hbm.at[idx_v], dw_v, sem_n)
    gs = pltpu.async_copy(s_hbm.at[idx_v], rows_v, sem_g)

    ca.wait()
    cr.wait()
    cd.wait()
    wa = pltpu.async_copy(a_v, out_a.at[pl.ds(base, _BPW)], sem_w)
    wr = pltpu.async_copy(r_v, out_r.at[pl.ds(base, _BPW)], sem_w)
    wd = pltpu.async_copy(dw_v, out_dw.at[pl.ds(base, _BPW)], sem_w)

    gs.wait()
    pltpu.sync_copy(rows_v, out_s.at[pl.ds(base, _BPW)])
    pltpu.async_copy(sn_hbm.at[idx_v], rows_v, sem_g).wait()
    pltpu.sync_copy(rows_v, out_sn.at[pl.ds(base, _BPW)])

    wa.wait()
    wr.wait()
    wd.wait()


def kernel(s, a, r, s_next, dw, ind):
    s_b, a_b, r_b, sn_b, dw_b = _sample(
        s, a.reshape(MAX_SIZE), r.reshape(MAX_SIZE), s_next,
        dw.reshape(MAX_SIZE), ind)
    return (s_b, a_b.reshape(BATCH, 1), r_b.reshape(BATCH, 1), sn_b,
            dw_b.reshape(BATCH, 1))

# --- scband reference (transcript-rebuilt; emitter-appended) ---
"""Pipeline reference for scband-replay-buffer-33621003993157 (READ-ONLY COPY).

The authoritative reference and input builder live on the scoring server;
editing this copy changes nothing except your own understanding.
"""

import jax, jax.numpy as jnp
import numpy as np

MAX_SIZE = 100000
STATE_DIM = 128
BATCH_SIZE = 16384

def setup_inputs(seed: int = 0) -> dict:
    key = jax.random.key(seed)
    k1, k2, k3, k4, k5, k6 = jax.random.split(key, 6)
    # Module state (the replay buffer contents). In the torch module these are
    # zero-initialized and filled via add(); here we materialize them with
    # representative data so sample() reads real values.
    s = jax.random.normal(k1, (MAX_SIZE, STATE_DIM), dtype=jnp.float32)
    a = jax.random.randint(k2, (MAX_SIZE, 1), 0, 18, dtype=jnp.int32)
    r = jax.random.normal(k3, (MAX_SIZE, 1), dtype=jnp.float32)
    s_next = jax.random.normal(k4, (MAX_SIZE, STATE_DIM), dtype=jnp.float32)
    dw = jax.random.randint(k5, (MAX_SIZE, 1), 0, 2, dtype=jnp.int32)
    # torch sample() draws ind = randint(0, size, (batch_size,)). For a
    # deterministic reference we precompute the sampled indices here.
    ind = jax.random.randint(k6, (BATCH_SIZE,), 0, MAX_SIZE, dtype=jnp.int32)
    return {"s": s, "a": a, "r": r, "s_next": s_next, "dw": dw, "ind": ind}

def reference(s, a, r, s_next, dw, ind):
    # Faithful translation of ReplayBuffer.sample: gather batch_size rows from
    # each buffer at indices ind (the .clone() is a no-op under jax semantics).
    s_b = jnp.take(s, ind, axis=0)
    a_b = jnp.take(a, ind, axis=0)
    r_b = jnp.take(r, ind, axis=0)
    s_next_b = jnp.take(s_next, ind, axis=0)
    dw_b = jnp.take(dw, ind, axis=0)
    return (s_b, a_b, r_b, s_next_b, dw_b)

if __name__ == "__main__":
    import jax
    _d = setup_inputs()
    print(jax.jit(kernel)(*tuple(_d.values())))

</pallas_src>

<mosaic_0001>
#map = affine_map<(d0, d1) -> (0, 0)>
#map1 = affine_map<(d0, d1) -> (0)>
module attributes {stable_mosaic.version = 14 : i64} {
  func.func @_sample(%arg0: i32, %arg1: i32, %arg2: memref<100000x128xf32, #tpu.memory_space<hbm>>, %arg3: memref<100000xi32, #tpu.memory_space<hbm>>, %arg4: memref<100000xf32, #tpu.memory_space<hbm>>, %arg5: memref<100000x128xf32, #tpu.memory_space<hbm>>, %arg6: memref<100000xi32, #tpu.memory_space<hbm>>, %arg7: memref<16384xi32, #tpu.memory_space<hbm>>, %arg8: memref<16384x128xf32, #tpu.memory_space<hbm>>, %arg9: memref<16384xi32, #tpu.memory_space<hbm>>, %arg10: memref<16384xf32, #tpu.memory_space<hbm>>, %arg11: memref<16384x128xf32, #tpu.memory_space<hbm>>, %arg12: memref<16384xi32, #tpu.memory_space<hbm>>, %arg13: memref<512xi32, #tpu.memory_space<vmem>>, %arg14: memref<512x128xf32, #tpu.memory_space<vmem>>, %arg15: memref<512xi32, #tpu.memory_space<vmem>>, %arg16: memref<512xf32, #tpu.memory_space<vmem>>, %arg17: memref<512xi32, #tpu.memory_space<vmem>>, %arg18: memref<!tpu.dma_semaphore, #tpu.memory_space<semaphore_mem>>, %arg19: memref<!tpu.dma_semaphore, #tpu.memory_space<semaphore_mem>>, %arg20: memref<!tpu.dma_semaphore, #tpu.memory_space<semaphore_mem>>) attributes {dimension_semantics = [#tpu.dimension_semantics<core_parallel>, #tpu.dimension_semantics<subcore_parallel>], iteration_bounds = array<i64: 2, 16>, scalar_prefetch = 0 : i64, scratch_operands = 8 : i64, tpu.core_type = #tpu.core_type<sc_vector_subcore>, window_params = [{transform_indices = #map}, {transform_indices = #map1}, {transform_indices = #map1}, {transform_indices = #map}, {transform_indices = #map1}, {transform_indices = #map1}, {transform_indices = #map}, {transform_indices = #map1}, {transform_indices = #map1}, {transform_indices = #map}, {transform_indices = #map1}]} {
    %mul3A = arith.constant 2 : i32
    %mul3A_0 = arith.muli %arg1, %mul3A : i32
    %add3A = arith.addi %mul3A_0, %arg0 : i32
    %mul3A_1 = arith.constant 512 : i32
    %mul3A_2 = arith.muli %add3A, %mul3A_1 : i32
    "tpu.region"() ({
      %run_scoped3A = tpu.sem_alloc : memref<!tpu.dma_semaphore, #tpu.memory_space<semaphore_mem>>
      %dma_start3A_37 = tpu.memref_slice %arg7[%mul3A_2] : memref<16384xi32, #tpu.memory_space<hbm>> -> memref<512xi32, #tpu.memory_space<hbm>>
      %dma_start3A_38 = tpu.memref_slice %arg7[%mul3A_2] : memref<16384xi32, #tpu.memory_space<hbm>> -> memref<512xi32, #tpu.memory_space<hbm>>
      tpu.enqueue_dma source(%dma_start3A_38 : memref<512xi32, #tpu.memory_space<hbm>>) target(%arg13 : memref<512xi32, #tpu.memory_space<vmem>>) target_semaphore(%run_scoped3A : memref<!tpu.dma_semaphore, #tpu.memory_space<semaphore_mem>>)
      %dma_wait3A_39 = tpu.memref_slice %arg7[%mul3A_2] : memref<16384xi32, #tpu.memory_space<hbm>> -> memref<512xi32, #tpu.memory_space<hbm>>
      %dma_wait3A_40 = tpu.memref_slice %arg7[%mul3A_2] : memref<16384xi32, #tpu.memory_space<hbm>> -> memref<512xi32, #tpu.memory_space<hbm>>
      tpu.wait_dma2 semaphore(%run_scoped3A : memref<!tpu.dma_semaphore, #tpu.memory_space<semaphore_mem>>) src(%dma_wait3A_40 : memref<512xi32, #tpu.memory_space<hbm>>) dst(%arg13 : memref<512xi32, #tpu.memory_space<vmem>>)
      tpu.yield
    }) : () -> ()
    %dma_start3A = arith.constant 0 : i32
    %dma_start3A_3 = tpu.memref_slice %arg3[%dma_start3A] : memref<100000xi32, #tpu.memory_space<hbm>> -> memref<100000xi32, #tpu.memory_space<hbm>>
    tpu.enqueue_indirect_dma source(%dma_start3A_3 : memref<100000xi32, #tpu.memory_space<hbm>>) target(%arg15 : memref<512xi32, #tpu.memory_space<vmem>>) offsets(%arg13 : memref<512xi32, #tpu.memory_space<vmem>>) semaphore(%arg19 : memref<!tpu.dma_semaphore, #tpu.memory_space<semaphore_mem>>)
    %dma_start3A_4 = arith.constant 0 : i32
    %dma_start3A_5 = tpu.memref_slice %arg4[%dma_start3A_4] : memref<100000xf32, #tpu.memory_space<hbm>> -> memref<100000xf32, #tpu.memory_space<hbm>>
    tpu.enqueue_indirect_dma source(%dma_start3A_5 : memref<100000xf32, #tpu.memory_space<hbm>>) target(%arg16 : memref<512xf32, #tpu.memory_space<vmem>>) offsets(%arg13 : memref<512xi32, #tpu.memory_space<vmem>>) semaphore(%arg19 : memref<!tpu.dma_semaphore, #tpu.memory_space<semaphore_mem>>)
    %dma_start3A_6 = arith.constant 0 : i32
    %dma_start3A_7 = tpu.memref_slice %arg6[%dma_start3A_6] : memref<100000xi32, #tpu.memory_space<hbm>> -> memref<100000xi32, #tpu.memory_space<hbm>>
    tpu.enqueue_indirect_dma source(%dma_start3A_7 : memref<100000xi32, #tpu.memory_space<hbm>>) target(%arg17 : memref<512xi32, #tpu.memory_space<vmem>>) offsets(%arg13 : memref<512xi32, #tpu.memory_space<vmem>>) semaphore(%arg19 : memref<!tpu.dma_semaphore, #tpu.memory_space<semaphore_mem>>)
    %dma_start3A_8 = arith.constant 0 : i32
    %dma_start3A_9 = arith.constant 0 : i32
    %dma_start3A_10 = tpu.memref_slice %arg2[%dma_start3A_8, %dma_start3A_9] : memref<100000x128xf32, #tpu.memory_space<hbm>> -> memref<100000x128xf32, #tpu.memory_space<hbm>>
    tpu.enqueue_indirect_dma source(%dma_start3A_10 : memref<100000x128xf32, #tpu.memory_space<hbm>>) target(%arg14 : memref<512x128xf32, #tpu.memory_space<vmem>>) offsets(%arg13 : memref<512xi32, #tpu.memory_space<vmem>>) semaphore(%arg18 : memref<!tpu.dma_semaphore, #tpu.memory_space<semaphore_mem>>)
    %dma_wait3A = arith.constant 0 : i32
    %dma_wait3A_11 = tpu.memref_slice %arg3[%dma_wait3A] : memref<100000xi32, #tpu.memory_space<hbm>> -> memref<100000xi32, #tpu.memory_space<hbm>>
    tpu.wait_indirect_dma semaphore(%arg19 : memref<!tpu.dma_semaphore, #tpu.memory_space<semaphore_mem>>) src(%dma_wait3A_11 : memref<100000xi32, #tpu.memory_space<hbm>>) dst(%arg15 : memref<512xi32, #tpu.memory_space<vmem>>)
    %dma_wait3A_12 = arith.constant 0 : i32
    %dma_wait3A_13 = tpu.memref_slice %arg4[%dma_wait3A_12] : memref<100000xf32, #tpu.memory_space<hbm>> -> memref<100000xf32, #tpu.memory_space<hbm>>
    tpu.wait_indirect_dma semaphore(%arg19 : memref<!tpu.dma_semaphore, #tpu.memory_space<semaphore_mem>>) src(%dma_wait3A_13 : memref<100000xf32, #tpu.memory_space<hbm>>) dst(%arg16 : memref<512xf32, #tpu.memory_space<vmem>>)
    %dma_wait3A_14 = arith.constant 0 : i32
    %dma_wait3A_15 = tpu.memref_slice %arg6[%dma_wait3A_14] : memref<100000xi32, #tpu.memory_space<hbm>> -> memref<100000xi32, #tpu.memory_space<hbm>>
    tpu.wait_indirect_dma semaphore(%arg19 : memref<!tpu.dma_semaphore, #tpu.memory_space<semaphore_mem>>) src(%dma_wait3A_15 : memref<100000xi32, #tpu.memory_space<hbm>>) dst(%arg17 : memref<512xi32, #tpu.memory_space<vmem>>)
    %dma_start3A_16 = tpu.memref_slice %arg9[%mul3A_2] : memref<16384xi32, #tpu.memory_space<hbm>> -> memref<512xi32, #tpu.memory_space<hbm>>
    %dma_start3A_17 = tpu.memref_slice %arg9[%mul3A_2] : memref<16384xi32, #tpu.memory_space<hbm>> -> memref<512xi32, #tpu.memory_space<hbm>>
    tpu.enqueue_dma source(%arg15 : memref<512xi32, #tpu.memory_space<vmem>>) target(%dma_start3A_17 : memref<512xi32, #tpu.memory_space<hbm>>) target_semaphore(%arg20 : memref<!tpu.dma_semaphore, #tpu.memory_space<semaphore_mem>>)
    %dma_start3A_18 = tpu.memref_slice %arg10[%mul3A_2] : memref<16384xf32, #tpu.memory_space<hbm>> -> memref<512xf32, #tpu.memory_space<hbm>>
    %dma_start3A_19 = tpu.memref_slice %arg10[%mul3A_2] : memref<16384xf32, #tpu.memory_space<hbm>> -> memref<512xf32, #tpu.memory_space<hbm>>
    tpu.enqueue_dma source(%arg16 : memref<512xf32, #tpu.memory_space<vmem>>) target(%dma_start3A_19 : memref<512xf32, #tpu.memory_space<hbm>>) target_semaphore(%arg20 : memref<!tpu.dma_semaphore, #tpu.memory_space<semaphore_mem>>)
    %dma_start3A_20 = tpu.memref_slice %arg12[%mul3A_2] : memref<16384xi32, #tpu.memory_space<hbm>> -> memref<512xi32, #tpu.memory_space<hbm>>
    %dma_start3A_21 = tpu.memref_slice %arg12[%mul3A_2] : memref<16384xi32, #tpu.memory_space<hbm>> -> memref<512xi32, #tpu.memory_space<hbm>>
    tpu.enqueue_dma source(%arg17 : memref<512xi32, #tpu.memory_space<vmem>>) target(%dma_start3A_21 : memref<512xi32, #tpu.memory_space<hbm>>) target_semaphore(%arg20 : memref<!tpu.dma_semaphore, #tpu.memory_space<semaphore_mem>>)
    %dma_wait3A_22 = arith.constant 0 : i32
    %dma_wait3A_23 = arith.constant 0 : i32
    %dma_wait3A_24 = tpu.memref_slice %arg2[%dma_wait3A_22, %dma_wait3A_23] : memref<100000x128xf32, #tpu.memory_space<hbm>> -> memref<100000x128xf32, #tpu.memory_space<hbm>>
    tpu.wait_indirect_dma semaphore(%arg18 : memref<!tpu.dma_semaphore, #tpu.memory_space<semaphore_mem>>) src(%dma_wait3A_24 : memref<100000x128xf32, #tpu.memory_space<hbm>>) dst(%arg14 : memref<512x128xf32, #tpu.memory_space<vmem>>)
    "tpu.region"() ({
      %run_scoped3A = tpu.sem_alloc : memref<!tpu.dma_semaphore, #tpu.memory_space<semaphore_mem>>
      %dma_start3A_37 = arith.constant 0 : i32
      %dma_start3A_38 = tpu.memref_slice %arg8[%mul3A_2, %dma_start3A_37] : memref<16384x128xf32, #tpu.memory_space<hbm>> -> memref<512x128xf32, #tpu.memory_space<hbm>>
      %dma_start3A_39 = arith.constant 0 : i32
      %dma_start3A_40 = tpu.memref_slice %arg8[%mul3A_2, %dma_start3A_39] : memref<16384x128xf32, #tpu.memory_space<hbm>> -> memref<512x128xf32, #tpu.memory_space<hbm>>
      tpu.enqueue_dma source(%arg14 : memref<512x128xf32, #tpu.memory_space<vmem>>) target(%dma_start3A_40 : memref<512x128xf32, #tpu.memory_space<hbm>>) target_semaphore(%run_scoped3A : memref<!tpu.dma_semaphore, #tpu.memory_space<semaphore_mem>>)
      %dma_wait3A_41 = arith.constant 0 : i32
      %dma_wait3A_42 = tpu.memref_slice %arg8[%mul3A_2, %dma_wait3A_41] : memref<16384x128xf32, #tpu.memory_space<hbm>> -> memref<512x128xf32, #tpu.memory_space<hbm>>
      %dma_wait3A_43 = arith.constant 0 : i32
      %dma_wait3A_44 = tpu.memref_slice %arg8[%mul3A_2, %dma_wait3A_43] : memref<16384x128xf32, #tpu.memory_space<hbm>> -> memref<512x128xf32, #tpu.memory_space<hbm>>
      tpu.wait_dma2 semaphore(%run_scoped3A : memref<!tpu.dma_semaphore, #tpu.memory_space<semaphore_mem>>) src(%arg14 : memref<512x128xf32, #tpu.memory_space<vmem>>) dst(%dma_wait3A_44 : memref<512x128xf32, #tpu.memory_space<hbm>>)
      tpu.yield
    }) : () -> ()
    %dma_start3A_25 = arith.constant 0 : i32
    %dma_start3A_26 = arith.constant 0 : i32
    %dma_start3A_27 = tpu.memref_slice %arg5[%dma_start3A_25, %dma_start3A_26] : memref<100000x128xf32, #tpu.memory_space<hbm>> -> memref<100000x128xf32, #tpu.memory_space<hbm>>
    tpu.enqueue_indirect_dma source(%dma_start3A_27 : memref<100000x128xf32, #tpu.memory_space<hbm>>) target(%arg14 : memref<512x128xf32, #tpu.memory_space<vmem>>) offsets(%arg13 : memref<512xi32, #tpu.memory_space<vmem>>) semaphore(%arg18 : memref<!tpu.dma_semaphore, #tpu.memory_space<semaphore_mem>>)
    %dma_wait3A_28 = arith.constant 0 : i32
    %dma_wait3A_29 = arith.constant 0 : i32
    %dma_wait3A_30 = tpu.memref_slice %arg5[%dma_wait3A_28, %dma_wait3A_29] : memref<100000x128xf32, #tpu.memory_space<hbm>> -> memref<100000x128xf32, #tpu.memory_space<hbm>>
    tpu.wait_indirect_dma semaphore(%arg18 : memref<!tpu.dma_semaphore, #tpu.memory_space<semaphore_mem>>) src(%dma_wait3A_30 : memref<100000x128xf32, #tpu.memory_space<hbm>>) dst(%arg14 : memref<512x128xf32, #tpu.memory_space<vmem>>)
    "tpu.region"() ({
      %run_scoped3A = tpu.sem_alloc : memref<!tpu.dma_semaphore, #tpu.memory_space<semaphore_mem>>
      %dma_start3A_37 = arith.constant 0 : i32
      %dma_start3A_38 = tpu.memref_slice %arg11[%mul3A_2, %dma_start3A_37] : memref<16384x128xf32, #tpu.memory_space<hbm>> -> memref<512x128xf32, #tpu.memory_space<hbm>>
      %dma_start3A_39 = arith.constant 0 : i32
      %dma_start3A_40 = tpu.memref_slice %arg11[%mul3A_2, %dma_start3A_39] : memref<16384x128xf32, #tpu.memory_space<hbm>> -> memref<512x128xf32, #tpu.memory_space<hbm>>
      tpu.enqueue_dma source(%arg14 : memref<512x128xf32, #tpu.memory_space<vmem>>) target(%dma_start3A_40 : memref<512x128xf32, #tpu.memory_space<hbm>>) target_semaphore(%run_scoped3A : memref<!tpu.dma_semaphore, #tpu.memory_space<semaphore_mem>>)
      %dma_wait3A_41 = arith.constant 0 : i32
      %dma_wait3A_42 = tpu.memref_slice %arg11[%mul3A_2, %dma_wait3A_41] : memref<16384x128xf32, #tpu.memory_space<hbm>> -> memref<512x128xf32, #tpu.memory_space<hbm>>
      %dma_wait3A_43 = arith.constant 0 : i32
      %dma_wait3A_44 = tpu.memref_slice %arg11[%mul3A_2, %dma_wait3A_43] : memref<16384x128xf32, #tpu.memory_space<hbm>> -> memref<512x128xf32, #tpu.memory_space<hbm>>
      tpu.wait_dma2 semaphore(%run_scoped3A : memref<!tpu.dma_semaphore, #tpu.memory_space<semaphore_mem>>) src(%arg14 : memref<512x128xf32, #tpu.memory_space<vmem>>) dst(%dma_wait3A_44 : memref<512x128xf32, #tpu.memory_space<hbm>>)
      tpu.yield
    }) : () -> ()
    %dma_wait3A_31 = tpu.memref_slice %arg9[%mul3A_2] : memref<16384xi32, #tpu.memory_space<hbm>> -> memref<512xi32, #tpu.memory_space<hbm>>
    %dma_wait3A_32 = tpu.memref_slice %arg9[%mul3A_2] : memref<16384xi32, #tpu.memory_space<hbm>> -> memref<512xi32, #tpu.memory_space<hbm>>
    tpu.wait_dma2 semaphore(%arg20 : memref<!tpu.dma_semaphore, #tpu.memory_space<semaphore_mem>>) src(%arg15 : memref<512xi32, #tpu.memory_space<vmem>>) dst(%dma_wait3A_32 : memref<512xi32, #tpu.memory_space<hbm>>)
    %dma_wait3A_33 = tpu.memref_slice %arg10[%mul3A_2] : memref<16384xf32, #tpu.memory_space<hbm>> -> memref<512xf32, #tpu.memory_space<hbm>>
    %dma_wait3A_34 = tpu.memref_slice %arg10[%mul3A_2] : memref<16384xf32, #tpu.memory_space<hbm>> -> memref<512xf32, #tpu.memory_space<hbm>>
    tpu.wait_dma2 semaphore(%arg20 : memref<!tpu.dma_semaphore, #tpu.memory_space<semaphore_mem>>) src(%arg16 : memref<512xf32, #tpu.memory_space<vmem>>) dst(%dma_wait3A_34 : memref<512xf32, #tpu.memory_space<hbm>>)
    %dma_wait3A_35 = tpu.memref_slice %arg12[%mul3A_2] : memref<16384xi32, #tpu.memory_space<hbm>> -> memref<512xi32, #tpu.memory_space<hbm>>
    %dma_wait3A_36 = tpu.memref_slice %arg12[%mul3A_2] : memref<16384xi32, #tpu.memory_space<hbm>> -> memref<512xi32, #tpu.memory_space<hbm>>
    tpu.wait_dma2 semaphore(%arg20 : memref<!tpu.dma_semaphore, #tpu.memory_space<semaphore_mem>>) src(%arg17 : memref<512xi32, #tpu.memory_space<vmem>>) dst(%dma_wait3A_36 : memref<512xi32, #tpu.memory_space<hbm>>)
    return
  }
}

</mosaic_0001>

<sc_bundles>
// kernel: kernel.3.cloned.1.call-start
scs
__scs_entry_jumppad:
0x0: {  	(pc) =	sbr.rel $0x88, $3  }
0x1: {  	(tag) =	ssettag $0x0;
	lr =	simm.s32 $0x1  }
0x2: {  	[smem:$0x3F9B] =	sst lr;
	_ =	strace $0xD0000000  }
0x3: {  	_ = 	snop  }
0x4: {  	_ = 	snop  }
0x5: {  	_ = 	snop  }
0x6: {  	_ = 	snop  }
0x7: {  	_ = 	snop  }
__scs_overlays_trampoline_lowered:
0x8: {  	[smem:$0x3FAA] =	sst s0  }
0x9: {  	[smem:$0x3FAB] =	sst s1  }
0xa: {  	[smem:$0x3FAC] =	sst s2  }
0xb: {  	[smem:$0x3FAD] =	sst s3  }
0xc: {  	[smem:$0x3FAE] =	sst s4  }
0xd: {  	[smem:$0x3FAF] =	sst s5  }
0xe: {  	[smem:$0x3FB0] =	sst s6  }
0xf: {  	[smem:$0x3FB1] =	sst s7  }
0x10: {  	[smem:$0x3FB2] =	sst s8  }
0x11: {  	[smem:$0x3FB3] =	sst s9;
	s0 =	simm.s32 @!p0 $0x0  }
0x12: {  	s1 =	sld [smem:$0x3F99];
	s0 =	simm.s32 @p0 $0x1  }
0x13: {  	[smem:$0x3FB4] =	sst s0;
	s0 =	simm.s32 @!p1 $0x0  }
0x14: {  	s2 =	sld [smem:$0x3F98];
	s0 =	simm.s32 @p1 $0x1  }
0x15: {  	[smem:$0x3FB5] =	sst s0;
	s0 =	simm.s32 @!p2 $0x0  }
0x16: {  	s3 =	sld [smem:$0x3FDB];
	s0 =	simm.s32 @p2 $0x1  }
0x17: {  	s4 =	simm.s32 $0x1BF5;
	[smem:$0x3FB7] =	sst s0  }
0x18: {  	s0 =	sld [smem:$0x3F9A];
	_ =	swait.ge [sflag:s4], $0x0  }
0x19: {  	s7 =	sld [smem:$0x3F9B]  }
0x1a: {  	s8 =	sadd.s32 $0xFFFFE003, lr  }
0x1b: {  	s9 =	sadd.s32 $0xFFFFFEF7, lr;
	s5 =	simm.s32 $0xFFFFFFFF;
	p2 =	slt.u32 s8, $0xFFFFF086  }
0x1c: {  	p1 =	slt.u32 s9, $0xF7A;
	s5 =	simm.s32 @!p2 $0x0  }
0x1d: {  	s5 =	simm.s32 @p1 $0x1;
	p0 =	seq.s32 s7, s2  }
0x1e: {  	s7 =	smul.u32 @!p0 $0xF7A, s2;
	p2 =	seq.s32 @!p0 s5, $0x0  }
0x1f: {  	s9 =	smul.u32 $0xF7A, s1;
	s8 =	simm.s32 @!p0 $0x1BF5;
	p2 =	por !p2, p0  }
0x20: {  	[sflag:s8] =	ssyncset.s32 @!p0 $0xFFFFF086;
	s6 =	sadd.s32 @!p0 s3, s7;
	s7 =	simm.s32 @!p0 $0x108  }
0x21: {  	s3 =	sadd.s32 s3, s9;
	s6 =	sadd.s32 @!p0 $0x88, s6;
	s7 =	simm.s32 @p2 $0x1082  }
0x22: {  	[simem:s7], [sflag:s8] =	dma.local @!p0 [hbm:s6], $0xF7A  }
0x23: {  	s9 =	sor.u32 $0xD0000000, s2;
	s6 =	simm.s32 $0x108;
	_ =	swait.ge @!p0 [sflag:s8], $0x0  }
0x24: {  	s3 =	sadd.s32 $0x88, s3;
	s6 =	simm.s32 @!p1 $0x1082;
	[sflag:s4] =	ssyncset.s32 $0xFFFFF086  }
0x25: {  	[simem:s6], [sflag:s4] =	dma.local [hbm:s3], $0xF7A  }
0x26: {  	[smem:$0x3F9B] =	sst s1;
	(tag) =	ssettag s2;
	_ =	strace s9  }
0x27: {  	s1 =	sld [smem:$0x3FAB]  }
0x28: {  	s2 =	sld [smem:$0x3FAC]  }
0x29: {  	s4 =	sld [smem:$0x3FAE]  }
0x2a: {  	p0 =	seq.s32 s5, $0x0;
	s5 =	sld [smem:$0x3FAF]  }
0x2b: {  	s6 =	sld [smem:$0x3FB0]  }
0x2c: {  	s7 =	sld [smem:$0x3FB1]  }
0x2d: {  	s3 =	simm.s32 $0x108;
	s8 =	sld [smem:$0x3FB2]  }
0x2e: {  	s3 =	simm.s32 @!p0 $0x1082;
	s9 =	sld [smem:$0x3FB3]  }
0x2f: {  	lr =	sadd.s32 s0, s3;
	s0 =	sld [smem:$0x3FAA]  }
0x30: {  	s3 =	sld [smem:$0x3FAD]  }
0x31: {  	[smem:$0x3FB6] =	sst s10  }
0x32: {  	s10 =	sld [smem:$0x3FB4];
	_ =	sdelay $0x3  }
0x33: {  	p0 =	seq.s32 s10, $0x1;
	s10 =	sld [smem:$0x3FB6];
	_ =	sdelay $0x3  }
0x34: {  	[smem:$0x3FB6] =	sst s10  }
0x35: {  	s10 =	sld [smem:$0x3FB5];
	_ =	sdelay $0x3  }
0x36: {  	p1 =	seq.s32 s10, $0x1;
	s10 =	sld [smem:$0x3FB6];
	_ =	sdelay $0x3  }
0x37: {  	[smem:$0x3FB6] =	sst s10  }
0x38: {  	s10 =	sld [smem:$0x3FB7]  }
0x39: {  	_ = 	snop;
	(pc) =	sbr.ind lr, $3  }
0x3a: {  	_ = 	snop  }
0x3b: {  	_ = 	snop  }
0x3c: {  	p2 =	seq.s32 s10, $0x1;
	s10 =	sld [smem:$0x3FB6]  }
0x3d: {  	_ =	shalt  }
0x3e: {  	_ =	shalt  }
0x3f: {  	_ =	shalt  }
0x40: {  	_ =	shalt  }
0x41: {  	_ =	shalt  }
0x42: {  	_ =	shalt  }
0x43: {  	_ =	shalt  }
0x44: {  	_ =	shalt  }
0x45: {  	_ =	shalt  }
0x46: {  	_ =	shalt  }
0x47: {  	_ =	shalt  }
0x48: {  	_ =	shalt  }
0x49: {  	_ =	shalt  }
0x4a: {  	_ =	shalt  }
0x4b: {  	_ =	shalt  }
0x4c: {  	_ =	shalt  }
0x4d: {  	_ =	shalt  }
0x4e: {  	_ =	shalt  }
0x4f: {  	_ =	shalt  }
0x50: {  	_ =	shalt  }
0x51: {  	_ =	shalt  }
0x52: {  	_ =	shalt  }
0x53: {  	_ =	shalt  }
0x54: {  	_ =	shalt  }
0x55: {  	_ =	shalt  }
0x56: {  	_ =	shalt  }
0x57: {  	_ =	shalt  }
0x58: {  	_ =	shalt  }
0x59: {  	_ =	shalt  }
0x5a: {  	_ =	shalt  }
0x5b: {  	_ =	shalt  }
0x5c: {  	_ =	shalt  }
0x5d: {  	_ =	shalt  }
0x5e: {  	_ =	shalt  }
0x5f: {  	_ =	shalt  }
0x60: {  	_ =	shalt  }
0x61: {  	_ =	shalt  }
0x62: {  	_ =	shalt  }
0x63: {  	_ =	shalt  }
0x64: {  	_ =	shalt  }
0x65: {  	_ =	shalt  }
0x66: {  	_ =	shalt  }
0x67: {  	_ =	shalt  }
0x68: {  	_ =	shalt  }
0x69: {  	_ =	shalt  }
0x6a: {  	_ =	shalt  }
0x6b: {  	_ =	shalt  }
0x6c: {  	_ =	shalt  }
0x6d: {  	_ =	shalt  }
0x6e: {  	_ =	shalt  }
0x6f: {  	_ =	shalt  }
0x70: {  	_ =	shalt  }
0x71: {  	_ =	shalt  }
0x72: {  	_ =	shalt  }
0x73: {  	_ =	shalt  }
0x74: {  	_ =	shalt  }
0x75: {  	_ =	shalt  }
0x76: {  	_ =	shalt  }
0x77: {  	_ =	shalt  }
0x78: {  	_ =	shalt  }
0x79: {  	_ =	shalt  }
0x7a: {  	_ =	shalt  }
0x7b: {  	_ =	shalt  }
0x7c: {  	_ =	shalt  }
0x7d: {  	_ =	shalt  }
0x7e: {  	_ =	shalt  }
0x7f: {  	_ =	shalt  }
0x80: {  	_ =	shalt  }
0x81: {  	_ =	shalt  }
0x82: {  	_ =	shalt  }
0x83: {  	_ =	shalt  }
0x84: {  	_ =	shalt  }
0x85: {  	_ =	shalt  }
0x86: {  	_ =	shalt  }
0x87: {  	_ =	shalt  }
.Lfunc_end0:
.L_simem_size_0:
called_computation_lowered:
.L_overlay_start_0:
0x88: {  	s2 =	sld [smem:$0x3FD9]  }
0x89: {  	s3 =	sld [smem:$0x3FFE];
	_ =	sdelay $0x1  }
0x8a: {  	s1 =	srdreg.scid  }
0x8b: {  	s0 =	sand.u32 $0x1, s1  }
0x8c: {  	s14 =	sshll.u32 s0, $0xA;
	s2 =	sadd.s32 s3, s2  }
0x8d: {  	s2 =	sadd.s32 s2, s14  }
0x8e: {  	[smem:$0x3FC2] =	sst s2  }
0x8f: {  	_ = 	snop  }
0x90: {  	s2 =	sld [smem:$0x3FD0]  }
0x91: {  	s15 =	sld [smem:$0x3FC9]  }
0x92: {  	s4 =	sld [smem:$0x3FC6]  }
0x93: {  	s6 =	simm.s32 $0xA;
	s7 =	simm.s32 $0x10;
	s5 =	sld [smem:$0x3FC4]  }
0x94: {  	[smem:s7], [sflag:s6] =	dma.local [hbm:s2], $0x1  }
0x95: {  	_ =	swait.eq [sflag:s6], $0x1  }
0x96: {  	s16 =	sld [smem:$0x10]  }
0x97: {  	s17 =	sld [smem:$0x11]  }
0x98: {  	s8 =	sld [smem:$0x12];
	[sflag:s6] =	ssyncset.done $0x0  }
0x99: {  	s9 =	sld [smem:$0x13];
	[sflag:s6] =	ssyncadd.s32 $0xFFFFFFFF  }
0x9a: {  	s18 =	sld [smem:$0x14];
	(tm) =	ssettm $0x1  }
0x9b: {  	s10 =	sld [smem:$0x3FFB];
	_ =	sdelay $0x3  }
0x9c: {  	_ =	strace s10  }
0x9d: {  	s10 =	sld [smem:$0x3FFC];
	_ =	sdelay $0x3  }
0x9e: {  	_ =	strace s10  }
0x9f: {  	s10 =	sld [smem:$0x3FFD];
	_ =	sdelay $0x3  }
0xa0: {  	_ =	strace s10  }
0xa1: {  	_ =	strace $0x8FFFFFFF  }
0xa2: {  	s19 =	sld [smem:$0x3FDB];
	_ =	sdelay $0x1  }
0xa3: {  	s11 =	simm.s32 $_scs_section_size  }
0xa4: {  	s12 =	simm.s32 $_size__tile_overlayer_lowered;
	s13 =	simm.s32 $_tile_overlayer_lowered  }
0xa5: {  	s22 =	simm.s32 $0x1BFF;
	s21 =	sshll.u32 s13, $0x1;
	s10 =	sadd.s32 s11, s19  }
0xa6: {  	s20 =	sshll.u32 s12, $0x1;
	s14 =	simm.s32 $0x0;
	s12 =	sadd.s32 s21, s10  }
0xa7: {  	[timem:s14], [sflag:s22] =	dma.local [hbm:s12], s20  }
0xa8: {  	_ =	swait.ge [sflag:s22], s20  }
0xa9: {  	s11 =	ssub.s32 $0x0, s20;
	[sflag:s22] =	ssyncset.done $0x0  }
0xaa: {  	[sflag:s22] =	ssyncadd.s32 s11;
	_ =	sdelay $0x1  }
0xab: {  	s23 =	simm.s32 $0x1B8B  }
0xac: {  	_ =	swait.ge [sflag:s23], $0x1  }
0xad: {  	[sflag:s23] =	ssyncset.done $0x0  }
0xae: {  	s25 =	simm.s32 $0x1B8E;
	s24 =	sld [smem:$0x3FFE];
	[sflag:s23] =	ssyncadd.s32 $0xFFFFFFFF  }
0xaf: {  	s26 =	simm.s32 $execute0_lowered;
	[smem:$0x3FD2] =	sst s25  }
0xb0: {  	s12 =	sshll.u32 s26, $0x1;
	_ =	strace $0x80000046;
	[dreg:$0x1] =	wrdreg $0xFFFFFFFF  }
0xb1: {  	s28 =	simm.s32 $_size_execute0_lowered;
	s10 =	sadd.s32 s10, s12;
	[dreg:$0x0] =	wrdreg $0x0  }
0xb2: {  	s12 =	sshll.u32 s28, $0x1;
	[dreg:$0x2] =	wrdreg s10  }
0xb3: {  	[dreg:$0x3] =	wrdreg s12  }
0xb4: {  	[dreg:$0x4] =	wrdreg $0xC0  }
0xb5: {  	_ =	task [dreg:s14], $0x5FFFF  }
0xb6: {  	[dreg:$0x1] =	wrdreg $0xFFFFFFFF  }
0xb7: {  	[dreg:$0x0] =	wrdreg $0x60  }
0xb8: {  	[dreg:$0x2] =	wrdreg s15  }
0xb9: {  	[dreg:$0x3] =	wrdreg s24  }
0xba: {  	[dreg:$0x4] =	wrdreg s4  }
0xbb: {  	[dreg:$0x5] =	wrdreg s5  }
0xbc: {  	[dreg:$0x6] =	wrdreg s16  }
0xbd: {  	[dreg:$0x7] =	wrdreg s17  }
0xbe: {  	[dreg:$0x8] =	wrdreg s8  }
0xbf: {  	[dreg:$0x9] =	wrdreg s9  }
0xc0: {  	[dreg:$0xa] =	wrdreg s18  }
0xc1: {  	[dreg:$0xb] =	wrdreg $0x9  }
0xc2: {  	_ =	task.clear_ibuf [dreg:s14], $0xCFFFF;
	_ =	strace $0x90000046  }
0xc3: {  	s29 =	simm.s32 $0x9;
	_ =	strace $0x80000048  }
0xc4: {  	_ =	swait.ge [sflag:s29], $0x1  }
0xc5: {  	[sflag:s29] =	ssyncadd.s32 $0xFFFFFFFF  }
0xc6: {  	_ =	strace $0x90000048  }
0xc7: {  	_ =	sfence  }
0xc8: {  	s30 =	sld [smem:$0x0];
	_ =	sdelay $0x2  }
0xc9: {  	s31 =	sshll.u32 s1, $0xD;
	s1 =	sshrl.u32 s1, $0x2  }
0xca: {  	s3 =	sand.u32 $0x4000, s31;
	s1 =	sadd.s32 s1, s30  }
0xcb: {  	s0 =	sor.u32 s3, s0;
	s1 =	sshll.u32 s1, $0x11  }
0xcc: {  	s0 =	sor.u32 s1, s0  }
0xcd: {  	s0 =	sadd.s32 $0x8F2B, s0  }
0xce: {  	[sflag:s0] =	ssyncadd.remote.s32 $0x1  }
0xcf: {  	_ =	sfence.sel $0xFFFF  }
0xd0: {  	[dreg:$0x0] =	wrdreg $0xFFFFFFFF;
	(pc) =	sbr.abs _section_cstart, $3  }
0xd1: {  	[dreg:$0x1] =	wrdreg $0xFFFFFFFF  }
0xd2: {  	_ =	task.clear_ibuf [dreg:s14], $0x2FFFF;
	_ =	strace $0x9FFFFFFF  }
0xd3: {  	(tm) =	ssettm $0x7FFFFFFF  }
tec
execute0_lowered:
.L_overlay_start_1:
0x0: {  	(tag) =	ssettag $0x1  }
0x1: {  	s0 =	rddreg [dreg:$0x0]  }
0x2: {  	s1 =	rddreg [dreg:$0x1]  }
0x3: {  	s2 =	rddreg [dreg:$0x2]  }
0x4: {  	s6 =	rddreg [dreg:$0x3]  }
0x5: {  	s19 =	rddreg [dreg:$0x4]  }
0x6: {  	s15 =	rddreg [dreg:$0x5]  }
0x7: {  	s16 =	rddreg [dreg:$0x6];
	s4 =	srdreg.scid  }
0x8: {  	s20 =	rddreg [dreg:$0x7];
	s3 =	stileid.u32;
	s22 =	sand.u32 $0x1, s4  }
0x9: {  	s17 =	rddreg [dreg:$0x8];
	s7 =	sshll.u32 s3, $0xA;
	s8 =	sshll.u32 s22, $0x9  }
0xa: {  	s5 =	simm.s32 $0x0;
	s4 =	rddreg [dreg:$0x9];
	s21 =	sor.u32 s8, s7  }
0xb: {  	[smem:$0x7FF] =	sst s5;
	s18 =	sshrl.u32 s21, $0x3  }
0xc: {  	_ =	strace $0x80000047;
	s7 =	simm.s32 $0x4;
	s6 =	sadd.s32 s6, s18  }
0xd: {  	[tilespmem:s5], [sflag:$0x4] =	stream.linear.gather [hbm4b:s6+s5], $0x200, $0x38;
	[tilespmem:$0x10800] =	vst v63  }
0xe: {  	_ =	swait.ge [sflag:s7], $0x200  }
0xf: {  	[sflag:s7] =	ssyncset.done $0x0  }
0x10: {  	s9 =	simm.s32 $0x10200;
	s8 =	simm.s32 $0x200;
	[sflag:s7] =	ssyncadd.s32 $0xFFFFFE00  }
0x11: {  	[tilespmem:s9], [sflag:$0x2] =	stream.indirect.gather [hbm4b:s1+s8], $0x1, s5, s8, $0xb8;
	[tilespmem:$0x10800] =	vst v63  }
0x12: {  	s11 =	simm.s32 $0x10400;
	s10 =	sadd.s32 $0x6400, s1  }
0x13: {  	[tilespmem:s11], [sflag:$0x2] =	stream.indirect.gather [hbm4b:s10+s8], $0x1, s5, s8, $0xb8;
	[tilespmem:$0x10800] =	vst v63  }
0x14: {  	s13 =	simm.s32 $0x10600;
	s12 =	sadd.s32 $0x3200, s1  }
0x15: {  	[tilespmem:s13], [sflag:$0x2] =	stream.indirect.gather [hbm4b:s12+s8], $0x1, s5, s8, $0xb8;
	[tilespmem:$0x10800] =	vst v63  }
0x16: {  	s14 =	simm.s32 $0x2  }
0x17: {  	[tilespmem:s8], [sflag:$0x1] =	stream.indirect.gather [hbm4b:s0+s8], $0x80, s5, s8, $0xb8;
	[tilespmem:$0x10800] =	vst v63  }
0x18: {  	_ =	swait.ge [sflag:s14], $0x200  }
0x19: {  	[sflag:s14] =	ssyncset.done $0x0  }
0x1a: {  	[sflag:s14] =	ssyncadd.s32 $0xFFFFFE00  }
0x1b: {  	_ =	swait.ge [sflag:s14], $0x200  }
0x1c: {  	[sflag:s14] =	ssyncset.done $0x0  }
0x1d: {  	[sflag:s14] =	ssyncadd.s32 $0xFFFFFE00  }
0x1e: {  	_ =	swait.ge [sflag:s14], $0x200  }
0x1f: {  	[sflag:s14] =	ssyncset.done $0x0  }
0x20: {  	s15 =	sadd.s32 s15, s18;
	[sflag:s14] =	ssyncadd.s32 $0xFFFFFE00  }
0x21: {  	[hbm4b:s15+s5] =	stream.linear.scatter [tilespmem:s9], [sflag:$0x3], $0x200, $0x38;
	[tilespmem:$0x10800] =	vst v63  }
0x22: {  	s16 =	sadd.s32 s16, s18  }
0x23: {  	[hbm4b:s16+s5] =	stream.linear.scatter [tilespmem:s11], [sflag:$0x3], $0x200, $0x38;
	[tilespmem:$0x10800] =	vst v63  }
0x24: {  	s17 =	sadd.s32 s17, s18;
	s18 =	simm.s32 $0x1  }
0x25: {  	[hbm4b:s17+s5] =	stream.linear.scatter [tilespmem:s13], [sflag:$0x3], $0x200, $0x38;
	[tilespmem:$0x10800] =	vst v63  }
0x26: {  	_ =	swait.ge [sflag:s18], $0x10000  }
0x27: {  	s21 =	sshll.u32 s21, $0x4;
	[sflag:s18] =	ssyncset.done $0x0  }
0x28: {  	s19 =	sadd.s32 s19, s21;
	[sflag:s18] =	ssyncadd.s32 $0xFFFF0000  }
0x29: {  	[hbm4b:s19+s5] =	stream.linear.scatter [tilespmem:s8], [sflag:$0x4], $0x10000, $0x38;
	[tilespmem:$0x10800] =	vst v63  }
0x2a: {  	_ =	swait.ge [sflag:s7], $0x10000  }
0x2b: {  	[sflag:s7] =	ssyncset.done $0x0  }
0x2c: {  	[sflag:s7] =	ssyncadd.s32 $0xFFFF0000  }
0x2d: {  	[tilespmem:s8], [sflag:$0x1] =	stream.indirect.gather [hbm4b:s2+s8], $0x80, s5, s8, $0xb8;
	[tilespmem:$0x10800] =	vst v63  }
0x2e: {  	_ =	swait.ge [sflag:s18], $0x10000  }
0x2f: {  	[sflag:s18] =	ssyncset.done $0x0  }
0x30: {  	s20 =	sadd.s32 s20, s21;
	[sflag:s18] =	ssyncadd.s32 $0xFFFF0000  }
0x31: {  	[hbm4b:s20+s5] =	stream.linear.scatter [tilespmem:s8], [sflag:$0x4], $0x10000, $0x38;
	[tilespmem:$0x10800] =	vst v63  }
0x32: {  	_ =	swait.ge [sflag:s7], $0x10000  }
0x33: {  	s22 =	ssub.s32 $0x2, s22;
	[sflag:s7] =	ssyncset.done $0x0  }
0x34: {  	s23 =	sshrl.u32 s22, $0x1;
	s21 =	simm.s32 $0x3;
	[sflag:s7] =	ssyncadd.s32 $0xFFFF0000  }
0x35: {  	s22 =	ssub.s32 s22, s23;
	_ =	swait.ge [sflag:s21], $0x200  }
0x36: {  	s22 =	smax.u32 s22, $0x1;
	[sflag:s21] =	ssyncset.done $0x0  }
0x37: {  	p0 =	sne.s32 s22, $0x1;
	[sflag:s21] =	ssyncadd.s32 $0xFFFFFE00  }
.Ltmp0:
0x38: {  	_ =	swait.ge [sflag:s21], $0x200;
	(pc) =	sbr.rel @!p0 .LBB2_2-.Ltmp0, $4  }
0x39: {  	[sflag:s21] =	ssyncset.done $0x0  }
0x3a: {  	[sflag:s21] =	ssyncadd.s32 $0xFFFFFE00  }
0x3b: {  	_ =	swait.ge [sflag:s21], $0x200  }
0x3c: {  	s22 =	sadd.s32 $0xFFFFFFFF, s22;
	[sflag:s21] =	ssyncset.done $0x0  }
.LBB2_1:
0x3d: {  	p0 =	sne.s32 s22, $0x1;
	s22 =	sadd.s32 $0xFFFFFFFF, s22;
	[sflag:s21] =	ssyncadd.s32 $0xFFFFFE00  }
0x3e: {  	[tilespmem:s5], [sflag:$0x4] =	stream.linear.gather [hbm4b:s6+s5], $0x200, $0x38;
	[tilespmem:$0x10800] =	vst v63  }
0x3f: {  	_ =	swait.ge [sflag:s7], $0x200  }
0x40: {  	[sflag:s7] =	ssyncset.done $0x0  }
0x41: {  	[sflag:s7] =	ssyncadd.s32 $0xFFFFFE00  }
0x42: {  	[tilespmem:s9], [sflag:$0x2] =	stream.indirect.gather [hbm4b:s1+s8], $0x1, s5, s8, $0xb8;
	[tilespmem:$0x10800] =	vst v63  }
0x43: {  	_ = 	snop  }
0x44: {  	[tilespmem:s11], [sflag:$0x2] =	stream.indirect.gather [hbm4b:s10+s8], $0x1, s5, s8, $0xb8;
	[tilespmem:$0x10800] =	vst v63  }
0x45: {  	_ = 	snop  }
0x46: {  	[tilespmem:s13], [sflag:$0x2] =	stream.indirect.gather [hbm4b:s12+s8], $0x1, s5, s8, $0xb8;
	[tilespmem:$0x10800] =	vst v63  }
0x47: {  	_ = 	snop  }
0x48: {  	[tilespmem:s8], [sflag:$0x1] =	stream.indirect.gather [hbm4b:s0+s8], $0x80, s5, s8, $0xb8;
	[tilespmem:$0x10800] =	vst v63  }
0x49: {  	_ =	swait.ge [sflag:s14], $0x200  }
0x4a: {  	[sflag:s14] =	ssyncset.done $0x0  }
0x4b: {  	[sflag:s14] =	ssyncadd.s32 $0xFFFFFE00  }
0x4c: {  	_ =	swait.ge [sflag:s14], $0x200  }
0x4d: {  	[sflag:s14] =	ssyncset.done $0x0  }
0x4e: {  	[sflag:s14] =	ssyncadd.s32 $0xFFFFFE00  }
0x4f: {  	_ =	swait.ge [sflag:s14], $0x200  }
0x50: {  	[sflag:s14] =	ssyncset.done $0x0  }
0x51: {  	[sflag:s14] =	ssyncadd.s32 $0xFFFFFE00  }
0x52: {  	[hbm4b:s15+s5] =	stream.linear.scatter [tilespmem:s9], [sflag:$0x3], $0x200, $0x38;
	[tilespmem:$0x10800] =	vst v63  }
0x53: {  	_ = 	snop  }
0x54: {  	[hbm4b:s16+s5] =	stream.linear.scatter [tilespmem:s11], [sflag:$0x3], $0x200, $0x38;
	[tilespmem:$0x10800] =	vst v63  }
0x55: {  	_ = 	snop  }
0x56: {  	[hbm4b:s17+s5] =	stream.linear.scatter [tilespmem:s13], [sflag:$0x3], $0x200, $0x38;
	[tilespmem:$0x10800] =	vst v63  }
0x57: {  	_ =	swait.ge [sflag:s18], $0x10000  }
0x58: {  	[sflag:s18] =	ssyncset.done $0x0  }
0x59: {  	[sflag:s18] =	ssyncadd.s32 $0xFFFF0000  }
0x5a: {  	[hbm4b:s19+s5] =	stream.linear.scatter [tilespmem:s8], [sflag:$0x4], $0x10000, $0x38;
	[tilespmem:$0x10800] =	vst v63  }
0x5b: {  	_ =	swait.ge [sflag:s7], $0x10000  }
0x5c: {  	[sflag:s7] =	ssyncset.done $0x0  }
0x5d: {  	[sflag:s7] =	ssyncadd.s32 $0xFFFF0000  }
0x5e: {  	[tilespmem:s8], [sflag:$0x1] =	stream.indirect.gather [hbm4b:s2+s8], $0x80, s5, s8, $0xb8;
	[tilespmem:$0x10800] =	vst v63  }
0x5f: {  	_ =	swait.ge [sflag:s18], $0x10000  }
0x60: {  	[sflag:s18] =	ssyncset.done $0x0  }
0x61: {  	[sflag:s18] =	ssyncadd.s32 $0xFFFF0000  }
0x62: {  	[hbm4b:s20+s5] =	stream.linear.scatter [tilespmem:s8], [sflag:$0x4], $0x10000, $0x38;
	[tilespmem:$0x10800] =	vst v63  }
0x63: {  	_ =	swait.ge [sflag:s7], $0x10000  }
0x64: {  	[sflag:s7] =	ssyncset.done $0x0  }
0x65: {  	[sflag:s7] =	ssyncadd.s32 $0xFFFF0000  }
0x66: {  	_ =	swait.ge [sflag:s21], $0x200  }
0x67: {  	[sflag:s21] =	ssyncset.done $0x0  }
0x68: {  	[sflag:s21] =	ssyncadd.s32 $0xFFFFFE00  }
.Ltmp1:
0x69: {  	_ =	swait.ge [sflag:s21], $0x200;
	(pc) =	sbr.rel @p0 .LBB2_1-.Ltmp1, $4  }
0x6a: {  	[sflag:s21] =	ssyncset.done $0x0  }
0x6b: {  	[sflag:s21] =	ssyncadd.s32 $0xFFFFFE00  }
0x6c: {  	_ =	swait.ge [sflag:s21], $0x200  }
0x6d: {  	[sflag:s21] =	ssyncset.done $0x0  }
.LBB2_2:
0x6e: {  	[sflag:s21] =	ssyncadd.s32 $0xFFFFFE00  }
0x6f: {  	_ =	sfence.sel $0x180000  }
0x70: {  	[bflag:$0x0] =	sbarrier.arrive $0xFFFF  }
0x71: {  	p0 =	sne.s32 s3, $0x0;
	_ =	strace $0x90000047  }
0x72: {  	s0 =	sadd.s32 @!p0 $0x100000, s4;
	[bflag:$0x2] =	sbarrier.arrive $0xFFFF  }
0x73: {  	[sflag:s0] =	ssyncadd.tile.s32 @!p0 $0x1;
	_ =	shalt  }
.Lfunc_end2:
_tile_overlayer_lowered:
.L_overlay_start_2:
0x74: {  	(tag) =	ssettag $0x2  }
0x75: {  	s0 =	rddreg [dreg:$0x0];
	s2 =	stileid.u32  }
0x76: {  	s1 =	rddreg [dreg:$0x1];
	p0 =	sne.s32 s2, $0x0  }
0x77: {  	s3 =	rddreg [dreg:$0x2];
	[bflag:$0x3] =	sbarrier.arrive $0xFFFF;
	s2 =	simm.s32 @!p0 $0x1C04  }
0x78: {  	[timem:s3], [sflag:s2] =	dma.local @!p0 [hbm:s0], s1  }
0x79: {  	s0 =	simm.s32 @!p0 $0x4  }
0x7a: {  	_ =	swait.ge @!p0 [sflag:s0], s1  }
0x7b: {  	s1 =	ssub.s32 @!p0 $0x0, s1;
	[sflag:s0] =	ssyncset.done @!p0 $0x0  }
0x7c: {  	[sflag:s0] =	ssyncadd.s32 @!p0 s1  }
0x7d: {  	[bflag:$0x3] =	sbarrier.arrive $0xFFFF  }
0x7e: {  	_ =	shalt  }

</sc_bundles>
